<compile_context>
chip_gen: v7x
topology: tpu7x:2x2x1
jax: 0.10.2.dev20260603
libtpu: 0.0.44.dev20260713+nightly
codegen_flags: <defaults>
</compile_context>

<pallas_src>
import functools

import jax
import jax.numpy as jnp
from jax import lax
from jax.experimental import pallas as pl
from jax.experimental.pallas import tpu as pltpu
from jax.experimental.pallas import tpu_sc as plsc

V = 10000
D = 128
NC = 2
NS = 16
NW = NC * NS
B = 4096 * 200
B_PER_W = B // NW
CHUNK = 128
U = 4
N_SUP = B_PER_W // (U * CHUNK)
NBUF = 3
FILL_T = 10

_mesh = plsc.VectorSubcoreMesh(core_axis_name="c", subcore_axis_name="s")


@functools.partial(
    pl.kernel,
    mesh=_mesh,
    out_type=jax.ShapeDtypeStruct((B, D), jnp.float32),
    scratch_types=[
        pltpu.VMEM_SHARED((V, D), jnp.float32),
        pltpu.VMEM((2, U, CHUNK), jnp.int32),
        pltpu.VMEM((NBUF * CHUNK, D), jnp.float32),
        pltpu.SemaphoreType.DMA,
        pltpu.SemaphoreType.DMA,
        pltpu.SemaphoreType.DMA,
    ],
)
def _embed_lookup(idx_hbm, table_hbm, out_hbm, tab_sh, idx_v, rows_v,
                  gsem, wsem, isem):
    sid = lax.axis_index("s")
    wid = sid * NC + lax.axis_index("c")
    base = wid * B_PER_W

    rows_per_fill = V // FILL_T

    @pl.when(sid < FILL_T)
    def _fill():
        pltpu.sync_copy(
            table_hbm.at[pl.ds(sid * rows_per_fill, rows_per_fill)],
            tab_sh.at[pl.ds(sid * rows_per_fill, rows_per_fill)])

    pltpu.async_copy(idx_hbm.at[wid, 0], idx_v.at[0], isem)

    plsc.subcore_barrier()

    def bufc(c):
        return rows_v.at[pl.ds(lax.rem(c, NBUF) * CHUNK, CHUNK)]

    def wait_one_write(wsem_):
        pltpu.make_async_copy(
            rows_v.at[pl.ds(0, CHUNK)],
            out_hbm.at[pl.ds(base, CHUNK)], wsem_).wait()

    def wait_one_gather(gsem_):
        pltpu.make_async_copy(
            tab_sh.at[idx_v.at[0, 0]], rows_v.at[pl.ds(0, CHUNK)], gsem_).wait()

    def body(s, carry):
        pb = lax.rem(s, 2)
        c0 = s * U
        obase = base + c0 * CHUNK

        pltpu.make_async_copy(idx_hbm.at[wid, s], idx_v.at[pb], isem).wait()

        @pl.when(s + 1 < N_SUP)
        def _prefetch():
            pltpu.async_copy(idx_hbm.at[wid, s + 1], idx_v.at[1 - pb], isem)

        def gat(j):
            return pltpu.async_copy(tab_sh.at[idx_v.at[pb, j]], bufc(c0 + j), gsem)

        def wrt(j):
            return pltpu.async_copy(
                bufc(c0 + j), out_hbm.at[pl.ds(obase + j * CHUNK, CHUNK)], wsem)

        g = [None] * U
        w = [None] * U
        for j in range(U):
            if j >= NBUF:
                w[j - NBUF].wait()
            else:
                @pl.when(s > 0)
                def _wfree():
                    wait_one_write(wsem)
            g[j] = gat(j)
            if j >= 1:
                g[j - 1].wait()
                w[j - 1] = wrt(j - 1)
            else:
                @pl.when(s > 0)
                def _wlast():
                    wait_one_gather(gsem)
                    pltpu.async_copy(
                        bufc(c0 - 1),
                        out_hbm.at[pl.ds(obase - CHUNK, CHUNK)], wsem)
        return carry

    lax.fori_loop(0, N_SUP, body, 0)

    LAST = N_SUP * U - 1
    wait_one_gather(gsem)
    pltpu.async_copy(
        rows_v.at[pl.ds((LAST % NBUF) * CHUNK, CHUNK)],
        out_hbm.at[pl.ds(base + B_PER_W - CHUNK, CHUNK)], wsem)
    for _ in range(NBUF):
        wait_one_write(wsem)


def kernel(x, table):
    idx = x.reshape(NW, N_SUP, U, CHUNK).astype(jnp.int32)
    out = _embed_lookup(idx, table)
    return out.reshape(x.shape + (D,))

# --- scband reference (transcript-rebuilt; emitter-appended) ---
"""Pipeline reference for scband-embedding-80676665688101 (READ-ONLY COPY).

The authoritative reference and input builder live on the scoring server;
editing this copy changes nothing except your own understanding.
"""

import jax, jax.numpy as jnp
import numpy as np

INPUT_DIM = 10000
EMBEDDING_DIM = 128

def setup_inputs(seed: int = 0) -> dict:
    key = jax.random.key(seed)
    k1, k2 = jax.random.split(key)
    x = jax.random.randint(k1, (4096, 200), 0, INPUT_DIM, dtype=jnp.int64 if jax.config.jax_enable_x64 else jnp.int32)
    table = jax.random.normal(k2, (INPUT_DIM, EMBEDDING_DIM), dtype=jnp.float32)
    # padding_idx=0: row 0 is zeros, matching nn.Embedding(padding_idx=0) init
    table = table.at[0].set(jnp.zeros((EMBEDDING_DIM,), dtype=jnp.float32))
    return {"x": x, "table": table}

def reference(x, table):
    # nn.Embedding with padding_idx=0: lookups at index 0 return the (zeroed) padding row
    return jnp.take(table, x, axis=0)

if __name__ == "__main__":
    import jax
    _d = setup_inputs()
    print(jax.jit(kernel)(*tuple(_d.values())))

</pallas_src>

<mosaic_0001>
#map = affine_map<(d0, d1) -> (0, 0, 0, 0)>
#map1 = affine_map<(d0, d1) -> (0, 0)>
module attributes {stable_mosaic.version = 14 : i64} {
  func.func @_embed_lookup(%arg0: i32, %arg1: i32, %arg2: memref<32x50x4x128xi32, #tpu.memory_space<hbm>>, %arg3: memref<10000x128xf32, #tpu.memory_space<hbm>>, %arg4: memref<819200x128xf32, #tpu.memory_space<hbm>>, %arg5: memref<10000x128xf32, #tpu.memory_space<vmem_shared>>, %arg6: memref<2x4x128xi32, #tpu.memory_space<vmem>>, %arg7: memref<384x128xf32, #tpu.memory_space<vmem>>, %arg8: memref<!tpu.dma_semaphore, #tpu.memory_space<semaphore_mem>>, %arg9: memref<!tpu.dma_semaphore, #tpu.memory_space<semaphore_mem>>, %arg10: memref<!tpu.dma_semaphore, #tpu.memory_space<semaphore_mem>>) attributes {dimension_semantics = [#tpu.dimension_semantics<core_parallel>, #tpu.dimension_semantics<subcore_parallel>], iteration_bounds = array<i64: 2, 16>, scalar_prefetch = 0 : i64, scratch_operands = 6 : i64, tpu.core_type = #tpu.core_type<sc_vector_subcore>, window_params = [{transform_indices = #map}, {transform_indices = #map1}, {transform_indices = #map1}]} {
    %mul3A = arith.constant 2 : i32
    %mul3A_0 = arith.muli %arg1, %mul3A : i32
    %add3A = arith.addi %mul3A_0, %arg0 : i32
    %mul3A_1 = arith.constant 25600 : i32
    %mul3A_2 = arith.muli %add3A, %mul3A_1 : i32
    %lt3A = arith.constant 10 : i32
    %lt3A_3 = arith.cmpi slt, %arg1, %lt3A : i32
    %convert_element_type3A = arith.extui %lt3A_3 : i1 to i32
    %cond3A = arith.constant 0 : i32
    %cond3A_4 = arith.cmpi ne, %convert_element_type3A, %cond3A : i32
    scf.if %cond3A_4 {
      %mul3A_80 = arith.constant 1000 : i32
      %mul3A_81 = arith.muli %arg1, %mul3A_80 : i32
      %mul3A_82 = arith.constant 1000 : i32
      %mul3A_83 = arith.muli %arg1, %mul3A_82 : i32
      "tpu.region"() ({
        %run_scoped3A = tpu.sem_alloc : memref<!tpu.dma_semaphore, #tpu.memory_space<semaphore_mem>>
        %dma_start3A_84 = arith.constant 0 : i32
        %dma_start3A_85 = tpu.memref_slice %arg5[%mul3A_83, %dma_start3A_84] : memref<10000x128xf32, #tpu.memory_space<vmem_shared>> -> memref<1000x128xf32, #tpu.memory_space<vmem_shared>>
        %dma_start3A_86 = arith.constant 0 : i32
        %dma_start3A_87 = tpu.memref_slice %arg3[%mul3A_81, %dma_start3A_86] : memref<10000x128xf32, #tpu.memory_space<hbm>> -> memref<1000x128xf32, #tpu.memory_space<hbm>>
        tpu.enqueue_dma source(%dma_start3A_87 : memref<1000x128xf32, #tpu.memory_space<hbm>>) target(%dma_start3A_85 : memref<1000x128xf32, #tpu.memory_space<vmem_shared>>) target_semaphore(%run_scoped3A : memref<!tpu.dma_semaphore, #tpu.memory_space<semaphore_mem>>)
        %dma_wait3A_88 = arith.constant 0 : i32
        %dma_wait3A_89 = tpu.memref_slice %arg5[%mul3A_83, %dma_wait3A_88] : memref<10000x128xf32, #tpu.memory_space<vmem_shared>> -> memref<1000x128xf32, #tpu.memory_space<vmem_shared>>
        %dma_wait3A_90 = arith.constant 0 : i32
        %dma_wait3A_91 = tpu.memref_slice %arg3[%mul3A_81, %dma_wait3A_90] : memref<10000x128xf32, #tpu.memory_space<hbm>> -> memref<1000x128xf32, #tpu.memory_space<hbm>>
        tpu.wait_dma2 semaphore(%run_scoped3A : memref<!tpu.dma_semaphore, #tpu.memory_space<semaphore_mem>>) src(%dma_wait3A_91 : memref<1000x128xf32, #tpu.memory_space<hbm>>) dst(%dma_wait3A_89 : memref<1000x128xf32, #tpu.memory_space<vmem_shared>>)
        tpu.yield
      }) : () -> ()
    } else {
    }
    %dma_start3A = arith.constant 0 : i32
    %dma_start3A_5 = arith.constant 0 : i32
    %dma_start3A_6 = arith.constant 0 : i32
    %dma_start3A_7 = arith.constant 0 : i32
    %dma_start3A_8 = tpu.memref_slice %arg6[%dma_start3A_5, %dma_start3A_6, %dma_start3A_7] : memref<2x4x128xi32, #tpu.memory_space<vmem>> -> memref<1x4x128xi32, #tpu.memory_space<vmem>>
    %dma_start3A_9 = tpu.memref_squeeze %dma_start3A_8 : memref<1x4x128xi32, #tpu.memory_space<vmem>> -> memref<4x128xi32, #tpu.memory_space<vmem>>
    %dma_start3A_10 = arith.constant 0 : i32
    %dma_start3A_11 = arith.constant 0 : i32
    %dma_start3A_12 = tpu.memref_slice %arg2[%add3A, %dma_start3A, %dma_start3A_10, %dma_start3A_11] : memref<32x50x4x128xi32, #tpu.memory_space<hbm>> -> memref<1x1x4x128xi32, #tpu.memory_space<hbm>>
    %dma_start3A_13 = tpu.memref_squeeze %dma_start3A_12 : memref<1x1x4x128xi32, #tpu.memory_space<hbm>> -> memref<4x128xi32, #tpu.memory_space<hbm>>
    %dma_start3A_14 = arith.constant 0 : i32
    %dma_start3A_15 = arith.constant 0 : i32
    %dma_start3A_16 = tpu.memref_slice %arg6[%dma_start3A_5, %dma_start3A_14, %dma_start3A_15] : memref<2x4x128xi32, #tpu.memory_space<vmem>> -> memref<1x4x128xi32, #tpu.memory_space<vmem>>
    %dma_start3A_17 = tpu.memref_squeeze %dma_start3A_16 : memref<1x4x128xi32, #tpu.memory_space<vmem>> -> memref<4x128xi32, #tpu.memory_space<vmem>>
    %dma_start3A_18 = arith.constant 0 : i32
    %dma_start3A_19 = arith.constant 0 : i32
    %dma_start3A_20 = tpu.memref_slice %arg2[%add3A, %dma_start3A, %dma_start3A_18, %dma_start3A_19] : memref<32x50x4x128xi32, #tpu.memory_space<hbm>> -> memref<1x1x4x128xi32, #tpu.memory_space<hbm>>
    %dma_start3A_21 = tpu.memref_squeeze %dma_start3A_20 : memref<1x1x4x128xi32, #tpu.memory_space<hbm>> -> memref<4x128xi32, #tpu.memory_space<hbm>>
    tpu.enqueue_dma source(%dma_start3A_21 : memref<4x128xi32, #tpu.memory_space<hbm>>) target(%dma_start3A_17 : memref<4x128xi32, #tpu.memory_space<vmem>>) target_semaphore(%arg10 : memref<!tpu.dma_semaphore, #tpu.memory_space<semaphore_mem>>)
    %barrier3A = arith.constant 0 : index
    tpu.barrier barrier_id(%barrier3A)
    %scan3A = arith.constant 0 : i32
    %scan3A_22 = arith.constant 0 : i32
    %scan3A_23 = arith.constant 50 : i32
    %scan3A_24 = arith.addi %scan3A_22, %scan3A_23 : i32
    %scan3A_25 = arith.constant 1 : i32
    scf.for %scan3A_80 = %scan3A_22 to %scan3A_24 step %scan3A_25  : i32 {
      %rem3A = arith.constant 2 : i32
      %rem3A_81 = arith.remsi %scan3A_80, %rem3A : i32
      %mul3A_82 = arith.constant 4 : i32
      %mul3A_83 = arith.muli %scan3A_80, %mul3A_82 : i32
      %mul3A_84 = arith.constant 128 : i32
      %mul3A_85 = arith.muli %mul3A_83, %mul3A_84 : i32
      %add3A_86 = arith.addi %mul3A_2, %mul3A_85 : i32
      %dma_wait3A_87 = arith.constant 0 : i32
      %dma_wait3A_88 = arith.constant 0 : i32
      %dma_wait3A_89 = tpu.memref_slice %arg6[%rem3A_81, %dma_wait3A_87, %dma_wait3A_88] : memref<2x4x128xi32, #tpu.memory_space<vmem>> -> memref<1x4x128xi32, #tpu.memory_space<vmem>>
      %dma_wait3A_90 = tpu.memref_squeeze %dma_wait3A_89 : memref<1x4x128xi32, #tpu.memory_space<vmem>> -> memref<4x128xi32, #tpu.memory_space<vmem>>
      %dma_wait3A_91 = arith.constant 0 : i32
      %dma_wait3A_92 = arith.constant 0 : i32
      %dma_wait3A_93 = tpu.memref_slice %arg2[%add3A, %scan3A_80, %dma_wait3A_91, %dma_wait3A_92] : memref<32x50x4x128xi32, #tpu.memory_space<hbm>> -> memref<1x1x4x128xi32, #tpu.memory_space<hbm>>
      %dma_wait3A_94 = tpu.memref_squeeze %dma_wait3A_93 : memref<1x1x4x128xi32, #tpu.memory_space<hbm>> -> memref<4x128xi32, #tpu.memory_space<hbm>>
      %dma_wait3A_95 = arith.constant 0 : i32
      %dma_wait3A_96 = arith.constant 0 : i32
      %dma_wait3A_97 = tpu.memref_slice %arg6[%rem3A_81, %dma_wait3A_95, %dma_wait3A_96] : memref<2x4x128xi32, #tpu.memory_space<vmem>> -> memref<1x4x128xi32, #tpu.memory_space<vmem>>
      %dma_wait3A_98 = tpu.memref_squeeze %dma_wait3A_97 : memref<1x4x128xi32, #tpu.memory_space<vmem>> -> memref<4x128xi32, #tpu.memory_space<vmem>>
      %dma_wait3A_99 = arith.constant 0 : i32
      %dma_wait3A_100 = arith.constant 0 : i32
      %dma_wait3A_101 = tpu.memref_slice %arg2[%add3A, %scan3A_80, %dma_wait3A_99, %dma_wait3A_100] : memref<32x50x4x128xi32, #tpu.memory_space<hbm>> -> memref<1x1x4x128xi32, #tpu.memory_space<hbm>>
      %dma_wait3A_102 = tpu.memref_squeeze %dma_wait3A_101 : memref<1x1x4x128xi32, #tpu.memory_space<hbm>> -> memref<4x128xi32, #tpu.memory_space<hbm>>
      tpu.wait_dma2 semaphore(%arg10 : memref<!tpu.dma_semaphore, #tpu.memory_space<semaphore_mem>>) src(%dma_wait3A_102 : memref<4x128xi32, #tpu.memory_space<hbm>>) dst(%dma_wait3A_98 : memref<4x128xi32, #tpu.memory_space<vmem>>)
      %add3A_103 = arith.constant 1 : i32
      %add3A_104 = arith.addi %scan3A_80, %add3A_103 : i32
      %lt3A_105 = arith.constant 50 : i32
      %lt3A_106 = arith.cmpi slt, %add3A_104, %lt3A_105 : i32
      %convert_element_type3A_107 = arith.extui %lt3A_106 : i1 to i32
      %cond3A_108 = arith.constant 0 : i32
      %cond3A_109 = arith.cmpi ne, %convert_element_type3A_107, %cond3A_108 : i32
      scf.if %cond3A_109 {
        %add3A_272 = arith.constant 1 : i32
        %add3A_273 = arith.addi %scan3A_80, %add3A_272 : i32
        %sub3A_274 = arith.constant 1 : i32
        %sub3A_275 = arith.subi %sub3A_274, %rem3A_81 : i32
        %dma_start3A_276 = arith.constant 0 : i32
        %dma_start3A_277 = arith.constant 0 : i32
        %dma_start3A_278 = tpu.memref_slice %arg6[%sub3A_275, %dma_start3A_276, %dma_start3A_277] : memref<2x4x128xi32, #tpu.memory_space<vmem>> -> memref<1x4x128xi32, #tpu.memory_space<vmem>>
        %dma_start3A_279 = tpu.memref_squeeze %dma_start3A_278 : memref<1x4x128xi32, #tpu.memory_space<vmem>> -> memref<4x128xi32, #tpu.memory_space<vmem>>
        %dma_start3A_280 = arith.constant 0 : i32
        %dma_start3A_281 = arith.constant 0 : i32
        %dma_start3A_282 = tpu.memref_slice %arg2[%add3A, %add3A_273, %dma_start3A_280, %dma_start3A_281] : memref<32x50x4x128xi32, #tpu.memory_space<hbm>> -> memref<1x1x4x128xi32, #tpu.memory_space<hbm>>
        %dma_start3A_283 = tpu.memref_squeeze %dma_start3A_282 : memref<1x1x4x128xi32, #tpu.memory_space<hbm>> -> memref<4x128xi32, #tpu.memory_space<hbm>>
        %dma_start3A_284 = arith.constant 0 : i32
        %dma_start3A_285 = arith.constant 0 : i32
        %dma_start3A_286 = tpu.memref_slice %arg6[%sub3A_275, %dma_start3A_284, %dma_start3A_285] : memref<2x4x128xi32, #tpu.memory_space<vmem>> -> memref<1x4x128xi32, #tpu.memory_space<vmem>>
        %dma_start3A_287 = tpu.memref_squeeze %dma_start3A_286 : memref<1x4x128xi32, #tpu.memory_space<vmem>> -> memref<4x128xi32, #tpu.memory_space<vmem>>
        %dma_start3A_288 = arith.constant 0 : i32
        %dma_start3A_289 = arith.constant 0 : i32
        %dma_start3A_290 = tpu.memref_slice %arg2[%add3A, %add3A_273, %dma_start3A_288, %dma_start3A_289] : memref<32x50x4x128xi32, #tpu.memory_space<hbm>> -> memref<1x1x4x128xi32, #tpu.memory_space<hbm>>
        %dma_start3A_291 = tpu.memref_squeeze %dma_start3A_290 : memref<1x1x4x128xi32, #tpu.memory_space<hbm>> -> memref<4x128xi32, #tpu.memory_space<hbm>>
        tpu.enqueue_dma source(%dma_start3A_291 : memref<4x128xi32, #tpu.memory_space<hbm>>) target(%dma_start3A_287 : memref<4x128xi32, #tpu.memory_space<vmem>>) target_semaphore(%arg10 : memref<!tpu.dma_semaphore, #tpu.memory_space<semaphore_mem>>)
      } else {
      }
      %gt3A = arith.constant 0 : i32
      %gt3A_110 = arith.cmpi sgt, %scan3A_80, %gt3A : i32
      %convert_element_type3A_111 = arith.extui %gt3A_110 : i1 to i32
      %cond3A_112 = arith.constant 0 : i32
      %cond3A_113 = arith.cmpi ne, %convert_element_type3A_111, %cond3A_112 : i32
      scf.if %cond3A_113 {
        %dma_wait3A_272 = arith.constant 0 : i32
        %dma_wait3A_273 = arith.constant 0 : i32
        %dma_wait3A_274 = tpu.memref_slice %arg7[%dma_wait3A_272, %dma_wait3A_273] : memref<384x128xf32, #tpu.memory_space<vmem>> -> memref<128x128xf32, #tpu.memory_space<vmem>>
        %dma_wait3A_275 = arith.constant 0 : i32
        %dma_wait3A_276 = tpu.memref_slice %arg4[%mul3A_2, %dma_wait3A_275] : memref<819200x128xf32, #tpu.memory_space<hbm>> -> memref<128x128xf32, #tpu.memory_space<hbm>>
        %dma_wait3A_277 = arith.constant 0 : i32
        %dma_wait3A_278 = tpu.memref_slice %arg4[%mul3A_2, %dma_wait3A_277] : memref<819200x128xf32, #tpu.memory_space<hbm>> -> memref<128x128xf32, #tpu.memory_space<hbm>>
        %dma_wait3A_279 = arith.constant 0 : i32
        %dma_wait3A_280 = arith.constant 0 : i32
        %dma_wait3A_281 = tpu.memref_slice %arg7[%dma_wait3A_279, %dma_wait3A_280] : memref<384x128xf32, #tpu.memory_space<vmem>> -> memref<128x128xf32, #tpu.memory_space<vmem>>
        tpu.wait_dma2 semaphore(%arg9 : memref<!tpu.dma_semaphore, #tpu.memory_space<semaphore_mem>>) src(%dma_wait3A_281 : memref<128x128xf32, #tpu.memory_space<vmem>>) dst(%dma_wait3A_278 : memref<128x128xf32, #tpu.memory_space<hbm>>)
      } else {
      }
      %add3A_114 = arith.constant 0 : i32
      %add3A_115 = arith.addi %mul3A_83, %add3A_114 : i32
      %rem3A_116 = arith.constant 3 : i32
      %rem3A_117 = arith.remsi %add3A_115, %rem3A_116 : i32
      %mul3A_118 = arith.constant 128 : i32
      %mul3A_119 = arith.muli %rem3A_117, %mul3A_118 : i32
      %dma_start3A_120 = arith.constant 0 : i32
      %dma_start3A_121 = arith.constant 0 : i32
      %dma_start3A_122 = tpu.memref_slice %arg7[%mul3A_119, %dma_start3A_121] : memref<384x128xf32, #tpu.memory_space<vmem>> -> memref<128x128xf32, #tpu.memory_space<vmem>>
      %dma_start3A_123 = arith.constant 0 : i32
      %dma_start3A_124 = tpu.memref_slice %arg6[%rem3A_81, %dma_start3A_120, %dma_start3A_123] : memref<2x4x128xi32, #tpu.memory_space<vmem>> -> memref<1x1x128xi32, #tpu.memory_space<vmem>>
      %dma_start3A_125 = tpu.memref_squeeze %dma_start3A_124 : memref<1x1x128xi32, #tpu.memory_space<vmem>> -> memref<128xi32, #tpu.memory_space<vmem>>
      %dma_start3A_126 = arith.constant 0 : i32
      %dma_start3A_127 = arith.constant 0 : i32
      %dma_start3A_128 = tpu.memref_slice %arg5[%dma_start3A_126, %dma_start3A_127] : memref<10000x128xf32, #tpu.memory_space<vmem_shared>> -> memref<10000x128xf32, #tpu.memory_space<vmem_shared>>
      tpu.enqueue_indirect_dma source(%dma_start3A_128 : memref<10000x128xf32, #tpu.memory_space<vmem_shared>>) target(%dma_start3A_122 : memref<128x128xf32, #tpu.memory_space<vmem>>) offsets(%dma_start3A_125 : memref<128xi32, #tpu.memory_space<vmem>>) semaphore(%arg8 : memref<!tpu.dma_semaphore, #tpu.memory_space<semaphore_mem>>)
      %gt3A_129 = arith.constant 0 : i32
      %gt3A_130 = arith.cmpi sgt, %scan3A_80, %gt3A_129 : i32
      %convert_element_type3A_131 = arith.extui %gt3A_130 : i1 to i32
      %cond3A_132 = arith.constant 0 : i32
      %cond3A_133 = arith.cmpi ne, %convert_element_type3A_131, %cond3A_132 : i32
      scf.if %cond3A_133 {
        %dma_wait3A_272 = arith.constant 0 : i32
        %dma_wait3A_273 = arith.constant 0 : i32
        %dma_wait3A_274 = arith.constant 0 : i32
        %dma_wait3A_275 = arith.constant 0 : i32
        %dma_wait3A_276 = tpu.memref_slice %arg7[%dma_wait3A_274, %dma_wait3A_275] : memref<384x128xf32, #tpu.memory_space<vmem>> -> memref<128x128xf32, #tpu.memory_space<vmem>>
        %dma_wait3A_277 = arith.constant 0 : i32
        %dma_wait3A_278 = tpu.memref_slice %arg6[%dma_wait3A_272, %dma_wait3A_273, %dma_wait3A_277] : memref<2x4x128xi32, #tpu.memory_space<vmem>> -> memref<1x1x128xi32, #tpu.memory_space<vmem>>
        %dma_wait3A_279 = tpu.memref_squeeze %dma_wait3A_278 : memref<1x1x128xi32, #tpu.memory_space<vmem>> -> memref<128xi32, #tpu.memory_space<vmem>>
        %dma_wait3A_280 = arith.constant 0 : i32
        %dma_wait3A_281 = arith.constant 0 : i32
        %dma_wait3A_282 = tpu.memref_slice %arg5[%dma_wait3A_280, %dma_wait3A_281] : memref<10000x128xf32, #tpu.memory_space<vmem_shared>> -> memref<10000x128xf32, #tpu.memory_space<vmem_shared>>
        tpu.wait_indirect_dma semaphore(%arg8 : memref<!tpu.dma_semaphore, #tpu.memory_space<semaphore_mem>>) src(%dma_wait3A_282 : memref<10000x128xf32, #tpu.memory_space<vmem_shared>>) dst(%dma_wait3A_276 : memref<128x128xf32, #tpu.memory_space<vmem>>)
        %sub3A_283 = arith.constant 1 : i32
        %sub3A_284 = arith.subi %mul3A_83, %sub3A_283 : i32
        %rem3A_285 = arith.constant 3 : i32
        %rem3A_286 = arith.remsi %sub3A_284, %rem3A_285 : i32
        %mul3A_287 = arith.constant 128 : i32
        %mul3A_288 = arith.muli %rem3A_286, %mul3A_287 : i32
        %sub3A_289 = arith.constant 128 : i32
        %sub3A_290 = arith.subi %add3A_86, %sub3A_289 : i32
        %dma_start3A_291 = arith.constant 0 : i32
        %dma_start3A_292 = tpu.memref_slice %arg7[%mul3A_288, %dma_start3A_291] : memref<384x128xf32, #tpu.memory_space<vmem>> -> memref<128x128xf32, #tpu.memory_space<vmem>>
        %dma_start3A_293 = arith.constant 0 : i32
        %dma_start3A_294 = tpu.memref_slice %arg4[%sub3A_290, %dma_start3A_293] : memref<819200x128xf32, #tpu.memory_space<hbm>> -> memref<128x128xf32, #tpu.memory_space<hbm>>
        %dma_start3A_295 = arith.constant 0 : i32
        %dma_start3A_296 = tpu.memref_slice %arg4[%sub3A_290, %dma_start3A_295] : memref<819200x128xf32, #tpu.memory_space<hbm>> -> memref<128x128xf32, #tpu.memory_space<hbm>>
        %dma_start3A_297 = arith.constant 0 : i32
        %dma_start3A_298 = tpu.memref_slice %arg7[%mul3A_288, %dma_start3A_297] : memref<384x128xf32, #tpu.memory_space<vmem>> -> memref<128x128xf32, #tpu.memory_space<vmem>>
        tpu.enqueue_dma source(%dma_start3A_298 : memref<128x128xf32, #tpu.memory_space<vmem>>) target(%dma_start3A_296 : memref<128x128xf32, #tpu.memory_space<hbm>>) target_semaphore(%arg9 : memref<!tpu.dma_semaphore, #tpu.memory_space<semaphore_mem>>)
      } else {
      }
      %gt3A_134 = arith.constant 0 : i32
      %gt3A_135 = arith.cmpi sgt, %scan3A_80, %gt3A_134 : i32
      %convert_element_type3A_136 = arith.extui %gt3A_135 : i1 to i32
      %cond3A_137 = arith.constant 0 : i32
      %cond3A_138 = arith.cmpi ne, %convert_element_type3A_136, %cond3A_137 : i32
      scf.if %cond3A_138 {
        %dma_wait3A_272 = arith.constant 0 : i32
        %dma_wait3A_273 = arith.constant 0 : i32
        %dma_wait3A_274 = tpu.memref_slice %arg7[%dma_wait3A_272, %dma_wait3A_273] : memref<384x128xf32, #tpu.memory_space<vmem>> -> memref<128x128xf32, #tpu.memory_space<vmem>>
        %dma_wait3A_275 = arith.constant 0 : i32
        %dma_wait3A_276 = tpu.memref_slice %arg4[%mul3A_2, %dma_wait3A_275] : memref<819200x128xf32, #tpu.memory_space<hbm>> -> memref<128x128xf32, #tpu.memory_space<hbm>>
        %dma_wait3A_277 = arith.constant 0 : i32
        %dma_wait3A_278 = tpu.memref_slice %arg4[%mul3A_2, %dma_wait3A_277] : memref<819200x128xf32, #tpu.memory_space<hbm>> -> memref<128x128xf32, #tpu.memory_space<hbm>>
        %dma_wait3A_279 = arith.constant 0 : i32
        %dma_wait3A_280 = arith.constant 0 : i32
        %dma_wait3A_281 = tpu.memref_slice %arg7[%dma_wait3A_279, %dma_wait3A_280] : memref<384x128xf32, #tpu.memory_space<vmem>> -> memref<128x128xf32, #tpu.memory_space<vmem>>
        tpu.wait_dma2 semaphore(%arg9 : memref<!tpu.dma_semaphore, #tpu.memory_space<semaphore_mem>>) src(%dma_wait3A_281 : memref<128x128xf32, #tpu.memory_space<vmem>>) dst(%dma_wait3A_278 : memref<128x128xf32, #tpu.memory_space<hbm>>)
      } else {
      }
      %add3A_139 = arith.constant 1 : i32
      %add3A_140 = arith.addi %mul3A_83, %add3A_139 : i32
      %rem3A_141 = arith.constant 3 : i32
      %rem3A_142 = arith.remsi %add3A_140, %rem3A_141 : i32
      %mul3A_143 = arith.constant 128 : i32
      %mul3A_144 = arith.muli %rem3A_142, %mul3A_143 : i32
      %dma_start3A_145 = arith.constant 1 : i32
      %dma_start3A_146 = arith.constant 0 : i32
      %dma_start3A_147 = tpu.memref_slice %arg7[%mul3A_144, %dma_start3A_146] : memref<384x128xf32, #tpu.memory_space<vmem>> -> memref<128x128xf32, #tpu.memory_space<vmem>>
      %dma_start3A_148 = arith.constant 0 : i32
      %dma_start3A_149 = tpu.memref_slice %arg6[%rem3A_81, %dma_start3A_145, %dma_start3A_148] : memref<2x4x128xi32, #tpu.memory_space<vmem>> -> memref<1x1x128xi32, #tpu.memory_space<vmem>>
      %dma_start3A_150 = tpu.memref_squeeze %dma_start3A_149 : memref<1x1x128xi32, #tpu.memory_space<vmem>> -> memref<128xi32, #tpu.memory_space<vmem>>
      %dma_start3A_151 = arith.constant 0 : i32
      %dma_start3A_152 = arith.constant 0 : i32
      %dma_start3A_153 = tpu.memref_slice %arg5[%dma_start3A_151, %dma_start3A_152] : memref<10000x128xf32, #tpu.memory_space<vmem_shared>> -> memref<10000x128xf32, #tpu.memory_space<vmem_shared>>
      tpu.enqueue_indirect_dma source(%dma_start3A_153 : memref<10000x128xf32, #tpu.memory_space<vmem_shared>>) target(%dma_start3A_147 : memref<128x128xf32, #tpu.memory_space<vmem>>) offsets(%dma_start3A_150 : memref<128xi32, #tpu.memory_space<vmem>>) semaphore(%arg8 : memref<!tpu.dma_semaphore, #tpu.memory_space<semaphore_mem>>)
      %dma_wait3A_154 = arith.constant 0 : i32
      %dma_wait3A_155 = arith.constant 0 : i32
      %dma_wait3A_156 = tpu.memref_slice %arg7[%mul3A_119, %dma_wait3A_155] : memref<384x128xf32, #tpu.memory_space<vmem>> -> memref<128x128xf32, #tpu.memory_space<vmem>>
      %dma_wait3A_157 = arith.constant 0 : i32
      %dma_wait3A_158 = tpu.memref_slice %arg6[%rem3A_81, %dma_wait3A_154, %dma_wait3A_157] : memref<2x4x128xi32, #tpu.memory_space<vmem>> -> memref<1x1x128xi32, #tpu.memory_space<vmem>>
      %dma_wait3A_159 = tpu.memref_squeeze %dma_wait3A_158 : memref<1x1x128xi32, #tpu.memory_space<vmem>> -> memref<128xi32, #tpu.memory_space<vmem>>
      %dma_wait3A_160 = arith.constant 0 : i32
      %dma_wait3A_161 = arith.constant 0 : i32
      %dma_wait3A_162 = tpu.memref_slice %arg5[%dma_wait3A_160, %dma_wait3A_161] : memref<10000x128xf32, #tpu.memory_space<vmem_shared>> -> memref<10000x128xf32, #tpu.memory_space<vmem_shared>>
      tpu.wait_indirect_dma semaphore(%arg8 : memref<!tpu.dma_semaphore, #tpu.memory_space<semaphore_mem>>) src(%dma_wait3A_162 : memref<10000x128xf32, #tpu.memory_space<vmem_shared>>) dst(%dma_wait3A_156 : memref<128x128xf32, #tpu.memory_space<vmem>>)
      %add3A_163 = arith.constant 0 : i32
      %add3A_164 = arith.addi %mul3A_83, %add3A_163 : i32
      %rem3A_165 = arith.constant 3 : i32
      %rem3A_166 = arith.remsi %add3A_164, %rem3A_165 : i32
      %mul3A_167 = arith.constant 128 : i32
      %mul3A_168 = arith.muli %rem3A_166, %mul3A_167 : i32
      %add3A_169 = arith.constant 0 : i32
      %add3A_170 = arith.addi %add3A_86, %add3A_169 : i32
      %dma_start3A_171 = arith.constant 0 : i32
      %dma_start3A_172 = tpu.memref_slice %arg7[%mul3A_168, %dma_start3A_171] : memref<384x128xf32, #tpu.memory_space<vmem>> -> memref<128x128xf32, #tpu.memory_space<vmem>>
      %dma_start3A_173 = arith.constant 0 : i32
      %dma_start3A_174 = tpu.memref_slice %arg4[%add3A_170, %dma_start3A_173] : memref<819200x128xf32, #tpu.memory_space<hbm>> -> memref<128x128xf32, #tpu.memory_space<hbm>>
      %dma_start3A_175 = arith.constant 0 : i32
      %dma_start3A_176 = tpu.memref_slice %arg4[%add3A_170, %dma_start3A_175] : memref<819200x128xf32, #tpu.memory_space<hbm>> -> memref<128x128xf32, #tpu.memory_space<hbm>>
      %dma_start3A_177 = arith.constant 0 : i32
      %dma_start3A_178 = tpu.memref_slice %arg7[%mul3A_168, %dma_start3A_177] : memref<384x128xf32, #tpu.memory_space<vmem>> -> memref<128x128xf32, #tpu.memory_space<vmem>>
      tpu.enqueue_dma source(%dma_start3A_178 : memref<128x128xf32, #tpu.memory_space<vmem>>) target(%dma_start3A_176 : memref<128x128xf32, #tpu.memory_space<hbm>>) target_semaphore(%arg9 : memref<!tpu.dma_semaphore, #tpu.memory_space<semaphore_mem>>)
      %gt3A_179 = arith.constant 0 : i32
      %gt3A_180 = arith.cmpi sgt, %scan3A_80, %gt3A_179 : i32
      %convert_element_type3A_181 = arith.extui %gt3A_180 : i1 to i32
      %cond3A_182 = arith.constant 0 : i32
      %cond3A_183 = arith.cmpi ne, %convert_element_type3A_181, %cond3A_182 : i32
      scf.if %cond3A_183 {
        %dma_wait3A_272 = arith.constant 0 : i32
        %dma_wait3A_273 = arith.constant 0 : i32
        %dma_wait3A_274 = tpu.memref_slice %arg7[%dma_wait3A_272, %dma_wait3A_273] : memref<384x128xf32, #tpu.memory_space<vmem>> -> memref<128x128xf32, #tpu.memory_space<vmem>>
        %dma_wait3A_275 = arith.constant 0 : i32
        %dma_wait3A_276 = tpu.memref_slice %arg4[%mul3A_2, %dma_wait3A_275] : memref<819200x128xf32, #tpu.memory_space<hbm>> -> memref<128x128xf32, #tpu.memory_space<hbm>>
        %dma_wait3A_277 = arith.constant 0 : i32
        %dma_wait3A_278 = tpu.memref_slice %arg4[%mul3A_2, %dma_wait3A_277] : memref<819200x128xf32, #tpu.memory_space<hbm>> -> memref<128x128xf32, #tpu.memory_space<hbm>>
        %dma_wait3A_279 = arith.constant 0 : i32
        %dma_wait3A_280 = arith.constant 0 : i32
        %dma_wait3A_281 = tpu.memref_slice %arg7[%dma_wait3A_279, %dma_wait3A_280] : memref<384x128xf32, #tpu.memory_space<vmem>> -> memref<128x128xf32, #tpu.memory_space<vmem>>
        tpu.wait_dma2 semaphore(%arg9 : memref<!tpu.dma_semaphore, #tpu.memory_space<semaphore_mem>>) src(%dma_wait3A_281 : memref<128x128xf32, #tpu.memory_space<vmem>>) dst(%dma_wait3A_278 : memref<128x128xf32, #tpu.memory_space<hbm>>)
      } else {
      }
      %add3A_184 = arith.constant 2 : i32
      %add3A_185 = arith.addi %mul3A_83, %add3A_184 : i32
      %rem3A_186 = arith.constant 3 : i32
      %rem3A_187 = arith.remsi %add3A_185, %rem3A_186 : i32
      %mul3A_188 = arith.constant 128 : i32
      %mul3A_189 = arith.muli %rem3A_187, %mul3A_188 : i32
      %dma_start3A_190 = arith.constant 2 : i32
      %dma_start3A_191 = arith.constant 0 : i32
      %dma_start3A_192 = tpu.memref_slice %arg7[%mul3A_189, %dma_start3A_191] : memref<384x128xf32, #tpu.memory_space<vmem>> -> memref<128x128xf32, #tpu.memory_space<vmem>>
      %dma_start3A_193 = arith.constant 0 : i32
      %dma_start3A_194 = tpu.memref_slice %arg6[%rem3A_81, %dma_start3A_190, %dma_start3A_193] : memref<2x4x128xi32, #tpu.memory_space<vmem>> -> memref<1x1x128xi32, #tpu.memory_space<vmem>>
      %dma_start3A_195 = tpu.memref_squeeze %dma_start3A_194 : memref<1x1x128xi32, #tpu.memory_space<vmem>> -> memref<128xi32, #tpu.memory_space<vmem>>
      %dma_start3A_196 = arith.constant 0 : i32
      %dma_start3A_197 = arith.constant 0 : i32
      %dma_start3A_198 = tpu.memref_slice %arg5[%dma_start3A_196, %dma_start3A_197] : memref<10000x128xf32, #tpu.memory_space<vmem_shared>> -> memref<10000x128xf32, #tpu.memory_space<vmem_shared>>
      tpu.enqueue_indirect_dma source(%dma_start3A_198 : memref<10000x128xf32, #tpu.memory_space<vmem_shared>>) target(%dma_start3A_192 : memref<128x128xf32, #tpu.memory_space<vmem>>) offsets(%dma_start3A_195 : memref<128xi32, #tpu.memory_space<vmem>>) semaphore(%arg8 : memref<!tpu.dma_semaphore, #tpu.memory_space<semaphore_mem>>)
      %dma_wait3A_199 = arith.constant 1 : i32
      %dma_wait3A_200 = arith.constant 0 : i32
      %dma_wait3A_201 = tpu.memref_slice %arg7[%mul3A_144, %dma_wait3A_200] : memref<384x128xf32, #tpu.memory_space<vmem>> -> memref<128x128xf32, #tpu.memory_space<vmem>>
      %dma_wait3A_202 = arith.constant 0 : i32
      %dma_wait3A_203 = tpu.memref_slice %arg6[%rem3A_81, %dma_wait3A_199, %dma_wait3A_202] : memref<2x4x128xi32, #tpu.memory_space<vmem>> -> memref<1x1x128xi32, #tpu.memory_space<vmem>>
      %dma_wait3A_204 = tpu.memref_squeeze %dma_wait3A_203 : memref<1x1x128xi32, #tpu.memory_space<vmem>> -> memref<128xi32, #tpu.memory_space<vmem>>
      %dma_wait3A_205 = arith.constant 0 : i32
      %dma_wait3A_206 = arith.constant 0 : i32
      %dma_wait3A_207 = tpu.memref_slice %arg5[%dma_wait3A_205, %dma_wait3A_206] : memref<10000x128xf32, #tpu.memory_space<vmem_shared>> -> memref<10000x128xf32, #tpu.memory_space<vmem_shared>>
      tpu.wait_indirect_dma semaphore(%arg8 : memref<!tpu.dma_semaphore, #tpu.memory_space<semaphore_mem>>) src(%dma_wait3A_207 : memref<10000x128xf32, #tpu.memory_space<vmem_shared>>) dst(%dma_wait3A_201 : memref<128x128xf32, #tpu.memory_space<vmem>>)
      %add3A_208 = arith.constant 1 : i32
      %add3A_209 = arith.addi %mul3A_83, %add3A_208 : i32
      %rem3A_210 = arith.constant 3 : i32
      %rem3A_211 = arith.remsi %add3A_209, %rem3A_210 : i32
      %mul3A_212 = arith.constant 128 : i32
      %mul3A_213 = arith.muli %rem3A_211, %mul3A_212 : i32
      %add3A_214 = arith.constant 128 : i32
      %add3A_215 = arith.addi %add3A_86, %add3A_214 : i32
      %dma_start3A_216 = arith.constant 0 : i32
      %dma_start3A_217 = tpu.memref_slice %arg7[%mul3A_213, %dma_start3A_216] : memref<384x128xf32, #tpu.memory_space<vmem>> -> memref<128x128xf32, #tpu.memory_space<vmem>>
      %dma_start3A_218 = arith.constant 0 : i32
      %dma_start3A_219 = tpu.memref_slice %arg4[%add3A_215, %dma_start3A_218] : memref<819200x128xf32, #tpu.memory_space<hbm>> -> memref<128x128xf32, #tpu.memory_space<hbm>>
      %dma_start3A_220 = arith.constant 0 : i32
      %dma_start3A_221 = tpu.memref_slice %arg4[%add3A_215, %dma_start3A_220] : memref<819200x128xf32, #tpu.memory_space<hbm>> -> memref<128x128xf32, #tpu.memory_space<hbm>>
      %dma_start3A_222 = arith.constant 0 : i32
      %dma_start3A_223 = tpu.memref_slice %arg7[%mul3A_213, %dma_start3A_222] : memref<384x128xf32, #tpu.memory_space<vmem>> -> memref<128x128xf32, #tpu.memory_space<vmem>>
      tpu.enqueue_dma source(%dma_start3A_223 : memref<128x128xf32, #tpu.memory_space<vmem>>) target(%dma_start3A_221 : memref<128x128xf32, #tpu.memory_space<hbm>>) target_semaphore(%arg9 : memref<!tpu.dma_semaphore, #tpu.memory_space<semaphore_mem>>)
      %dma_wait3A_224 = arith.constant 0 : i32
      %dma_wait3A_225 = tpu.memref_slice %arg7[%mul3A_168, %dma_wait3A_224] : memref<384x128xf32, #tpu.memory_space<vmem>> -> memref<128x128xf32, #tpu.memory_space<vmem>>
      %dma_wait3A_226 = arith.constant 0 : i32
      %dma_wait3A_227 = tpu.memref_slice %arg4[%add3A_170, %dma_wait3A_226] : memref<819200x128xf32, #tpu.memory_space<hbm>> -> memref<128x128xf32, #tpu.memory_space<hbm>>
      %dma_wait3A_228 = arith.constant 0 : i32
      %dma_wait3A_229 = tpu.memref_slice %arg4[%add3A_170, %dma_wait3A_228] : memref<819200x128xf32, #tpu.memory_space<hbm>> -> memref<128x128xf32, #tpu.memory_space<hbm>>
      %dma_wait3A_230 = arith.constant 0 : i32
      %dma_wait3A_231 = tpu.memref_slice %arg7[%mul3A_168, %dma_wait3A_230] : memref<384x128xf32, #tpu.memory_space<vmem>> -> memref<128x128xf32, #tpu.memory_space<vmem>>
      tpu.wait_dma2 semaphore(%arg9 : memref<!tpu.dma_semaphore, #tpu.memory_space<semaphore_mem>>) src(%dma_wait3A_231 : memref<128x128xf32, #tpu.memory_space<vmem>>) dst(%dma_wait3A_229 : memref<128x128xf32, #tpu.memory_space<hbm>>)
      %add3A_232 = arith.constant 3 : i32
      %add3A_233 = arith.addi %mul3A_83, %add3A_232 : i32
      %rem3A_234 = arith.constant 3 : i32
      %rem3A_235 = arith.remsi %add3A_233, %rem3A_234 : i32
      %mul3A_236 = arith.constant 128 : i32
      %mul3A_237 = arith.muli %rem3A_235, %mul3A_236 : i32
      %dma_start3A_238 = arith.constant 3 : i32
      %dma_start3A_239 = arith.constant 0 : i32
      %dma_start3A_240 = tpu.memref_slice %arg7[%mul3A_237, %dma_start3A_239] : memref<384x128xf32, #tpu.memory_space<vmem>> -> memref<128x128xf32, #tpu.memory_space<vmem>>
      %dma_start3A_241 = arith.constant 0 : i32
      %dma_start3A_242 = tpu.memref_slice %arg6[%rem3A_81, %dma_start3A_238, %dma_start3A_241] : memref<2x4x128xi32, #tpu.memory_space<vmem>> -> memref<1x1x128xi32, #tpu.memory_space<vmem>>
      %dma_start3A_243 = tpu.memref_squeeze %dma_start3A_242 : memref<1x1x128xi32, #tpu.memory_space<vmem>> -> memref<128xi32, #tpu.memory_space<vmem>>
      %dma_start3A_244 = arith.constant 0 : i32
      %dma_start3A_245 = arith.constant 0 : i32
      %dma_start3A_246 = tpu.memref_slice %arg5[%dma_start3A_244, %dma_start3A_245] : memref<10000x128xf32, #tpu.memory_space<vmem_shared>> -> memref<10000x128xf32, #tpu.memory_space<vmem_shared>>
      tpu.enqueue_indirect_dma source(%dma_start3A_246 : memref<10000x128xf32, #tpu.memory_space<vmem_shared>>) target(%dma_start3A_240 : memref<128x128xf32, #tpu.memory_space<vmem>>) offsets(%dma_start3A_243 : memref<128xi32, #tpu.memory_space<vmem>>) semaphore(%arg8 : memref<!tpu.dma_semaphore, #tpu.memory_space<semaphore_mem>>)
      %dma_wait3A_247 = arith.constant 2 : i32
      %dma_wait3A_248 = arith.constant 0 : i32
      %dma_wait3A_249 = tpu.memref_slice %arg7[%mul3A_189, %dma_wait3A_248] : memref<384x128xf32, #tpu.memory_space<vmem>> -> memref<128x128xf32, #tpu.memory_space<vmem>>
      %dma_wait3A_250 = arith.constant 0 : i32
      %dma_wait3A_251 = tpu.memref_slice %arg6[%rem3A_81, %dma_wait3A_247, %dma_wait3A_250] : memref<2x4x128xi32, #tpu.memory_space<vmem>> -> memref<1x1x128xi32, #tpu.memory_space<vmem>>
      %dma_wait3A_252 = tpu.memref_squeeze %dma_wait3A_251 : memref<1x1x128xi32, #tpu.memory_space<vmem>> -> memref<128xi32, #tpu.memory_space<vmem>>
      %dma_wait3A_253 = arith.constant 0 : i32
      %dma_wait3A_254 = arith.constant 0 : i32
      %dma_wait3A_255 = tpu.memref_slice %arg5[%dma_wait3A_253, %dma_wait3A_254] : memref<10000x128xf32, #tpu.memory_space<vmem_shared>> -> memref<10000x128xf32, #tpu.memory_space<vmem_shared>>
      tpu.wait_indirect_dma semaphore(%arg8 : memref<!tpu.dma_semaphore, #tpu.memory_space<semaphore_mem>>) src(%dma_wait3A_255 : memref<10000x128xf32, #tpu.memory_space<vmem_shared>>) dst(%dma_wait3A_249 : memref<128x128xf32, #tpu.memory_space<vmem>>)
      %add3A_256 = arith.constant 2 : i32
      %add3A_257 = arith.addi %mul3A_83, %add3A_256 : i32
      %rem3A_258 = arith.constant 3 : i32
      %rem3A_259 = arith.remsi %add3A_257, %rem3A_258 : i32
      %mul3A_260 = arith.constant 128 : i32
      %mul3A_261 = arith.muli %rem3A_259, %mul3A_260 : i32
      %add3A_262 = arith.constant 256 : i32
      %add3A_263 = arith.addi %add3A_86, %add3A_262 : i32
      %dma_start3A_264 = arith.constant 0 : i32
      %dma_start3A_265 = tpu.memref_slice %arg7[%mul3A_261, %dma_start3A_264] : memref<384x128xf32, #tpu.memory_space<vmem>> -> memref<128x128xf32, #tpu.memory_space<vmem>>
      %dma_start3A_266 = arith.constant 0 : i32
      %dma_start3A_267 = tpu.memref_slice %arg4[%add3A_263, %dma_start3A_266] : memref<819200x128xf32, #tpu.memory_space<hbm>> -> memref<128x128xf32, #tpu.memory_space<hbm>>
      %dma_start3A_268 = arith.constant 0 : i32
      %dma_start3A_269 = tpu.memref_slice %arg4[%add3A_263, %dma_start3A_268] : memref<819200x128xf32, #tpu.memory_space<hbm>> -> memref<128x128xf32, #tpu.memory_space<hbm>>
      %dma_start3A_270 = arith.constant 0 : i32
      %dma_start3A_271 = tpu.memref_slice %arg7[%mul3A_261, %dma_start3A_270] : memref<384x128xf32, #tpu.memory_space<vmem>> -> memref<128x128xf32, #tpu.memory_space<vmem>>
      tpu.enqueue_dma source(%dma_start3A_271 : memref<128x128xf32, #tpu.memory_space<vmem>>) target(%dma_start3A_269 : memref<128x128xf32, #tpu.memory_space<hbm>>) target_semaphore(%arg9 : memref<!tpu.dma_semaphore, #tpu.memory_space<semaphore_mem>>)
    }
    %scan3A_26 = arith.constant 50 : i32
    %dma_wait3A = arith.constant 0 : i32
    %dma_wait3A_27 = arith.constant 0 : i32
    %dma_wait3A_28 = arith.constant 0 : i32
    %dma_wait3A_29 = arith.constant 0 : i32
    %dma_wait3A_30 = tpu.memref_slice %arg7[%dma_wait3A_28, %dma_wait3A_29] : memref<384x128xf32, #tpu.memory_space<vmem>> -> memref<128x128xf32, #tpu.memory_space<vmem>>
    %dma_wait3A_31 = arith.constant 0 : i32
    %dma_wait3A_32 = tpu.memref_slice %arg6[%dma_wait3A, %dma_wait3A_27, %dma_wait3A_31] : memref<2x4x128xi32, #tpu.memory_space<vmem>> -> memref<1x1x128xi32, #tpu.memory_space<vmem>>
    %dma_wait3A_33 = tpu.memref_squeeze %dma_wait3A_32 : memref<1x1x128xi32, #tpu.memory_space<vmem>> -> memref<128xi32, #tpu.memory_space<vmem>>
    %dma_wait3A_34 = arith.constant 0 : i32
    %dma_wait3A_35 = arith.constant 0 : i32
    %dma_wait3A_36 = tpu.memref_slice %arg5[%dma_wait3A_34, %dma_wait3A_35] : memref<10000x128xf32, #tpu.memory_space<vmem_shared>> -> memref<10000x128xf32, #tpu.memory_space<vmem_shared>>
    tpu.wait_indirect_dma semaphore(%arg8 : memref<!tpu.dma_semaphore, #tpu.memory_space<semaphore_mem>>) src(%dma_wait3A_36 : memref<10000x128xf32, #tpu.memory_space<vmem_shared>>) dst(%dma_wait3A_30 : memref<128x128xf32, #tpu.memory_space<vmem>>)
    %add3A_37 = arith.constant 25600 : i32
    %add3A_38 = arith.addi %mul3A_2, %add3A_37 : i32
    %sub3A = arith.constant 128 : i32
    %sub3A_39 = arith.subi %add3A_38, %sub3A : i32
    %dma_start3A_40 = arith.constant 128 : i32
    %dma_start3A_41 = arith.constant 0 : i32
    %dma_start3A_42 = tpu.memref_slice %arg7[%dma_start3A_40, %dma_start3A_41] : memref<384x128xf32, #tpu.memory_space<vmem>> -> memref<128x128xf32, #tpu.memory_space<vmem>>
    %dma_start3A_43 = arith.constant 0 : i32
    %dma_start3A_44 = tpu.memref_slice %arg4[%sub3A_39, %dma_start3A_43] : memref<819200x128xf32, #tpu.memory_space<hbm>> -> memref<128x128xf32, #tpu.memory_space<hbm>>
    %dma_start3A_45 = arith.constant 0 : i32
    %dma_start3A_46 = tpu.memref_slice %arg4[%sub3A_39, %dma_start3A_45] : memref<819200x128xf32, #tpu.memory_space<hbm>> -> memref<128x128xf32, #tpu.memory_space<hbm>>
    %dma_start3A_47 = arith.constant 128 : i32
    %dma_start3A_48 = arith.constant 0 : i32
    %dma_start3A_49 = tpu.memref_slice %arg7[%dma_start3A_47, %dma_start3A_48] : memref<384x128xf32, #tpu.memory_space<vmem>> -> memref<128x128xf32, #tpu.memory_space<vmem>>
    tpu.enqueue_dma source(%dma_start3A_49 : memref<128x128xf32, #tpu.memory_space<vmem>>) target(%dma_start3A_46 : memref<128x128xf32, #tpu.memory_space<hbm>>) target_semaphore(%arg9 : memref<!tpu.dma_semaphore, #tpu.memory_space<semaphore_mem>>)
    %dma_wait3A_50 = arith.constant 0 : i32
    %dma_wait3A_51 = arith.constant 0 : i32
    %dma_wait3A_52 = tpu.memref_slice %arg7[%dma_wait3A_50, %dma_wait3A_51] : memref<384x128xf32, #tpu.memory_space<vmem>> -> memref<128x128xf32, #tpu.memory_space<vmem>>
    %dma_wait3A_53 = arith.constant 0 : i32
    %dma_wait3A_54 = tpu.memref_slice %arg4[%mul3A_2, %dma_wait3A_53] : memref<819200x128xf32, #tpu.memory_space<hbm>> -> memref<128x128xf32, #tpu.memory_space<hbm>>
    %dma_wait3A_55 = arith.constant 0 : i32
    %dma_wait3A_56 = tpu.memref_slice %arg4[%mul3A_2, %dma_wait3A_55] : memref<819200x128xf32, #tpu.memory_space<hbm>> -> memref<128x128xf32, #tpu.memory_space<hbm>>
    %dma_wait3A_57 = arith.constant 0 : i32
    %dma_wait3A_58 = arith.constant 0 : i32
    %dma_wait3A_59 = tpu.memref_slice %arg7[%dma_wait3A_57, %dma_wait3A_58] : memref<384x128xf32, #tpu.memory_space<vmem>> -> memref<128x128xf32, #tpu.memory_space<vmem>>
    tpu.wait_dma2 semaphore(%arg9 : memref<!tpu.dma_semaphore, #tpu.memory_space<semaphore_mem>>) src(%dma_wait3A_59 : memref<128x128xf32, #tpu.memory_space<vmem>>) dst(%dma_wait3A_56 : memref<128x128xf32, #tpu.memory_space<hbm>>)
    %dma_wait3A_60 = arith.constant 0 : i32
    %dma_wait3A_61 = arith.constant 0 : i32
    %dma_wait3A_62 = tpu.memref_slice %arg7[%dma_wait3A_60, %dma_wait3A_61] : memref<384x128xf32, #tpu.memory_space<vmem>> -> memref<128x128xf32, #tpu.memory_space<vmem>>
    %dma_wait3A_63 = arith.constant 0 : i32
    %dma_wait3A_64 = tpu.memref_slice %arg4[%mul3A_2, %dma_wait3A_63] : memref<819200x128xf32, #tpu.memory_space<hbm>> -> memref<128x128xf32, #tpu.memory_space<hbm>>
    %dma_wait3A_65 = arith.constant 0 : i32
    %dma_wait3A_66 = tpu.memref_slice %arg4[%mul3A_2, %dma_wait3A_65] : memref<819200x128xf32, #tpu.memory_space<hbm>> -> memref<128x128xf32, #tpu.memory_space<hbm>>
    %dma_wait3A_67 = arith.constant 0 : i32
    %dma_wait3A_68 = arith.constant 0 : i32
    %dma_wait3A_69 = tpu.memref_slice %arg7[%dma_wait3A_67, %dma_wait3A_68] : memref<384x128xf32, #tpu.memory_space<vmem>> -> memref<128x128xf32, #tpu.memory_space<vmem>>
    tpu.wait_dma2 semaphore(%arg9 : memref<!tpu.dma_semaphore, #tpu.memory_space<semaphore_mem>>) src(%dma_wait3A_69 : memref<128x128xf32, #tpu.memory_space<vmem>>) dst(%dma_wait3A_66 : memref<128x128xf32, #tpu.memory_space<hbm>>)
    %dma_wait3A_70 = arith.constant 0 : i32
    %dma_wait3A_71 = arith.constant 0 : i32
    %dma_wait3A_72 = tpu.memref_slice %arg7[%dma_wait3A_70, %dma_wait3A_71] : memref<384x128xf32, #tpu.memory_space<vmem>> -> memref<128x128xf32, #tpu.memory_space<vmem>>
    %dma_wait3A_73 = arith.constant 0 : i32
    %dma_wait3A_74 = tpu.memref_slice %arg4[%mul3A_2, %dma_wait3A_73] : memref<819200x128xf32, #tpu.memory_space<hbm>> -> memref<128x128xf32, #tpu.memory_space<hbm>>
    %dma_wait3A_75 = arith.constant 0 : i32
    %dma_wait3A_76 = tpu.memref_slice %arg4[%mul3A_2, %dma_wait3A_75] : memref<819200x128xf32, #tpu.memory_space<hbm>> -> memref<128x128xf32, #tpu.memory_space<hbm>>
    %dma_wait3A_77 = arith.constant 0 : i32
    %dma_wait3A_78 = arith.constant 0 : i32
    %dma_wait3A_79 = tpu.memref_slice %arg7[%dma_wait3A_77, %dma_wait3A_78] : memref<384x128xf32, #tpu.memory_space<vmem>> -> memref<128x128xf32, #tpu.memory_space<vmem>>
    tpu.wait_dma2 semaphore(%arg9 : memref<!tpu.dma_semaphore, #tpu.memory_space<semaphore_mem>>) src(%dma_wait3A_79 : memref<128x128xf32, #tpu.memory_space<vmem>>) dst(%dma_wait3A_76 : memref<128x128xf32, #tpu.memory_space<hbm>>)
    return
  }
}

</mosaic_0001>

<sc_bundles>
// kernel: kernel.3.cloned.1.call-start
scs
__scs_entry_jumppad:
0x0: {  	(pc) =	sbr.rel $0x88, $3  }
0x1: {  	(tag) =	ssettag $0x0;
	lr =	simm.s32 $0x1  }
0x2: {  	[smem:$0x3F9F] =	sst lr;
	_ =	strace $0xD0000000  }
0x3: {  	_ = 	snop  }
0x4: {  	_ = 	snop  }
0x5: {  	_ = 	snop  }
0x6: {  	_ = 	snop  }
0x7: {  	_ = 	snop  }
__scs_overlays_trampoline_lowered:
0x8: {  	[smem:$0x3FAE] =	sst s0  }
0x9: {  	[smem:$0x3FAF] =	sst s1  }
0xa: {  	[smem:$0x3FB0] =	sst s2  }
0xb: {  	[smem:$0x3FB1] =	sst s3  }
0xc: {  	[smem:$0x3FB2] =	sst s4  }
0xd: {  	[smem:$0x3FB3] =	sst s5  }
0xe: {  	[smem:$0x3FB4] =	sst s6  }
0xf: {  	[smem:$0x3FB5] =	sst s7  }
0x10: {  	[smem:$0x3FB6] =	sst s8  }
0x11: {  	[smem:$0x3FB7] =	sst s9;
	s0 =	simm.s32 @!p0 $0x0  }
0x12: {  	s1 =	sld [smem:$0x3F9D];
	s0 =	simm.s32 @p0 $0x1  }
0x13: {  	[smem:$0x3FB8] =	sst s0;
	s0 =	simm.s32 @!p1 $0x0  }
0x14: {  	s2 =	sld [smem:$0x3F9C];
	s0 =	simm.s32 @p1 $0x1  }
0x15: {  	[smem:$0x3FB9] =	sst s0;
	s0 =	simm.s32 @!p2 $0x0  }
0x16: {  	s3 =	sld [smem:$0x3FDB];
	s0 =	simm.s32 @p2 $0x1  }
0x17: {  	s4 =	simm.s32 $0x1BF5;
	[smem:$0x3FBB] =	sst s0  }
0x18: {  	s0 =	sld [smem:$0x3F9E];
	_ =	swait.ge [sflag:s4], $0x0  }
0x19: {  	s7 =	sld [smem:$0x3F9F]  }
0x1a: {  	s8 =	sadd.s32 $0xFFFFE003, lr  }
0x1b: {  	s9 =	sadd.s32 $0xFFFFFEF7, lr;
	s5 =	simm.s32 $0xFFFFFFFF;
	p2 =	slt.u32 s8, $0xFFFFF086  }
0x1c: {  	p1 =	slt.u32 s9, $0xF7A;
	s5 =	simm.s32 @!p2 $0x0  }
0x1d: {  	s5 =	simm.s32 @p1 $0x1;
	p0 =	seq.s32 s7, s2  }
0x1e: {  	s7 =	smul.u32 @!p0 $0xF7A, s2;
	p2 =	seq.s32 @!p0 s5, $0x0  }
0x1f: {  	s9 =	smul.u32 $0xF7A, s1;
	s8 =	simm.s32 @!p0 $0x1BF5;
	p2 =	por !p2, p0  }
0x20: {  	[sflag:s8] =	ssyncset.s32 @!p0 $0xFFFFF086;
	s6 =	sadd.s32 @!p0 s3, s7;
	s7 =	simm.s32 @!p0 $0x108  }
0x21: {  	s3 =	sadd.s32 s3, s9;
	s6 =	sadd.s32 @!p0 $0x88, s6;
	s7 =	simm.s32 @p2 $0x1082  }
0x22: {  	[simem:s7], [sflag:s8] =	dma.local @!p0 [hbm:s6], $0xF7A  }
0x23: {  	s9 =	sor.u32 $0xD0000000, s2;
	s6 =	simm.s32 $0x108;
	_ =	swait.ge @!p0 [sflag:s8], $0x0  }
0x24: {  	s3 =	sadd.s32 $0x88, s3;
	s6 =	simm.s32 @!p1 $0x1082;
	[sflag:s4] =	ssyncset.s32 $0xFFFFF086  }
0x25: {  	[simem:s6], [sflag:s4] =	dma.local [hbm:s3], $0xF7A  }
0x26: {  	[smem:$0x3F9F] =	sst s1;
	(tag) =	ssettag s2;
	_ =	strace s9  }
0x27: {  	s1 =	sld [smem:$0x3FAF]  }
0x28: {  	s2 =	sld [smem:$0x3FB0]  }
0x29: {  	s4 =	sld [smem:$0x3FB2]  }
0x2a: {  	p0 =	seq.s32 s5, $0x0;
	s5 =	sld [smem:$0x3FB3]  }
0x2b: {  	s6 =	sld [smem:$0x3FB4]  }
0x2c: {  	s7 =	sld [smem:$0x3FB5]  }
0x2d: {  	s3 =	simm.s32 $0x108;
	s8 =	sld [smem:$0x3FB6]  }
0x2e: {  	s3 =	simm.s32 @!p0 $0x1082;
	s9 =	sld [smem:$0x3FB7]  }
0x2f: {  	lr =	sadd.s32 s0, s3;
	s0 =	sld [smem:$0x3FAE]  }
0x30: {  	s3 =	sld [smem:$0x3FB1]  }
0x31: {  	[smem:$0x3FBA] =	sst s10  }
0x32: {  	s10 =	sld [smem:$0x3FB8];
	_ =	sdelay $0x3  }
0x33: {  	p0 =	seq.s32 s10, $0x1;
	s10 =	sld [smem:$0x3FBA];
	_ =	sdelay $0x3  }
0x34: {  	[smem:$0x3FBA] =	sst s10  }
0x35: {  	s10 =	sld [smem:$0x3FB9];
	_ =	sdelay $0x3  }
0x36: {  	p1 =	seq.s32 s10, $0x1;
	s10 =	sld [smem:$0x3FBA];
	_ =	sdelay $0x3  }
0x37: {  	[smem:$0x3FBA] =	sst s10  }
0x38: {  	s10 =	sld [smem:$0x3FBB]  }
0x39: {  	_ = 	snop;
	(pc) =	sbr.ind lr, $3  }
0x3a: {  	_ = 	snop  }
0x3b: {  	_ = 	snop  }
0x3c: {  	p2 =	seq.s32 s10, $0x1;
	s10 =	sld [smem:$0x3FBA]  }
0x3d: {  	_ =	shalt  }
0x3e: {  	_ =	shalt  }
0x3f: {  	_ =	shalt  }
0x40: {  	_ =	shalt  }
0x41: {  	_ =	shalt  }
0x42: {  	_ =	shalt  }
0x43: {  	_ =	shalt  }
0x44: {  	_ =	shalt  }
0x45: {  	_ =	shalt  }
0x46: {  	_ =	shalt  }
0x47: {  	_ =	shalt  }
0x48: {  	_ =	shalt  }
0x49: {  	_ =	shalt  }
0x4a: {  	_ =	shalt  }
0x4b: {  	_ =	shalt  }
0x4c: {  	_ =	shalt  }
0x4d: {  	_ =	shalt  }
0x4e: {  	_ =	shalt  }
0x4f: {  	_ =	shalt  }
0x50: {  	_ =	shalt  }
0x51: {  	_ =	shalt  }
0x52: {  	_ =	shalt  }
0x53: {  	_ =	shalt  }
0x54: {  	_ =	shalt  }
0x55: {  	_ =	shalt  }
0x56: {  	_ =	shalt  }
0x57: {  	_ =	shalt  }
0x58: {  	_ =	shalt  }
0x59: {  	_ =	shalt  }
0x5a: {  	_ =	shalt  }
0x5b: {  	_ =	shalt  }
0x5c: {  	_ =	shalt  }
0x5d: {  	_ =	shalt  }
0x5e: {  	_ =	shalt  }
0x5f: {  	_ =	shalt  }
0x60: {  	_ =	shalt  }
0x61: {  	_ =	shalt  }
0x62: {  	_ =	shalt  }
0x63: {  	_ =	shalt  }
0x64: {  	_ =	shalt  }
0x65: {  	_ =	shalt  }
0x66: {  	_ =	shalt  }
0x67: {  	_ =	shalt  }
0x68: {  	_ =	shalt  }
0x69: {  	_ =	shalt  }
0x6a: {  	_ =	shalt  }
0x6b: {  	_ =	shalt  }
0x6c: {  	_ =	shalt  }
0x6d: {  	_ =	shalt  }
0x6e: {  	_ =	shalt  }
0x6f: {  	_ =	shalt  }
0x70: {  	_ =	shalt  }
0x71: {  	_ =	shalt  }
0x72: {  	_ =	shalt  }
0x73: {  	_ =	shalt  }
0x74: {  	_ =	shalt  }
0x75: {  	_ =	shalt  }
0x76: {  	_ =	shalt  }
0x77: {  	_ =	shalt  }
0x78: {  	_ =	shalt  }
0x79: {  	_ =	shalt  }
0x7a: {  	_ =	shalt  }
0x7b: {  	_ =	shalt  }
0x7c: {  	_ =	shalt  }
0x7d: {  	_ =	shalt  }
0x7e: {  	_ =	shalt  }
0x7f: {  	_ =	shalt  }
0x80: {  	_ =	shalt  }
0x81: {  	_ =	shalt  }
0x82: {  	_ =	shalt  }
0x83: {  	_ =	shalt  }
0x84: {  	_ =	shalt  }
0x85: {  	_ =	shalt  }
0x86: {  	_ =	shalt  }
0x87: {  	_ =	shalt  }
.Lfunc_end0:
.L_simem_size_0:
called_computation_lowered:
.L_overlay_start_0:
0x88: {  	s2 =	sld [smem:$0x3FD9]  }
0x89: {  	s3 =	sld [smem:$0x3FFE];
	_ =	sdelay $0x1  }
0x8a: {  	s1 =	srdreg.scid  }
0x8b: {  	s0 =	sand.u32 $0x1, s1  }
0x8c: {  	s17 =	sshll.u32 s0, $0xA;
	s2 =	sadd.s32 s3, s2  }
0x8d: {  	s2 =	sadd.s32 s2, s17  }
0x8e: {  	[smem:$0x3FC6] =	sst s2  }
0x8f: {  	_ = 	snop  }
0x90: {  	s2 =	sld [smem:$0x3FC8]  }
0x91: {  	s18 =	sld [smem:$0x3FD0];
	(tm) =	ssettm $0x1  }
0x92: {  	s4 =	sld [smem:$0x3FFB];
	_ =	sdelay $0x3  }
0x93: {  	_ =	strace s4  }
0x94: {  	s4 =	sld [smem:$0x3FFC];
	_ =	sdelay $0x3  }
0x95: {  	_ =	strace s4  }
0x96: {  	s4 =	sld [smem:$0x3FFD];
	_ =	sdelay $0x3  }
0x97: {  	_ =	strace s4  }
0x98: {  	_ =	strace $0x8FFFFFFF  }
0x99: {  	s19 =	sld [smem:$0x3FDB];
	_ =	sdelay $0x1  }
0x9a: {  	s5 =	simm.s32 $_scs_section_size  }
0x9b: {  	s6 =	simm.s32 $_size__tile_overlayer_lowered;
	s7 =	simm.s32 $_tile_overlayer_lowered  }
0x9c: {  	s22 =	simm.s32 $0x1BFF;
	s21 =	sshll.u32 s7, $0x1;
	s4 =	sadd.s32 s5, s19  }
0x9d: {  	s8 =	simm.s32 $0x0;
	s20 =	sshll.u32 s6, $0x1;
	s6 =	sadd.s32 s21, s4  }
0x9e: {  	[timem:s8], [sflag:s22] =	dma.local [hbm:s6], s20  }
0x9f: {  	_ =	swait.ge [sflag:s22], s20  }
0xa0: {  	s5 =	ssub.s32 $0x0, s20;
	[sflag:s22] =	ssyncset.done $0x0  }
0xa1: {  	[sflag:s22] =	ssyncadd.s32 s5;
	_ =	sdelay $0x1  }
0xa2: {  	s23 =	simm.s32 $0x1B8B  }
0xa3: {  	_ =	swait.ge [sflag:s23], $0x1  }
0xa4: {  	[sflag:s23] =	ssyncset.done $0x0  }
0xa5: {  	s25 =	simm.s32 $0x1B8E;
	s24 =	sld [smem:$0x3FFE];
	[sflag:s23] =	ssyncadd.s32 $0xFFFFFFFF  }
0xa6: {  	s26 =	simm.s32 $execute0_lowered;
	[smem:$0x3FD2] =	sst s25  }
0xa7: {  	s6 =	sshll.u32 s26, $0x1;
	_ =	strace $0x80000046;
	[dreg:$0x1] =	wrdreg $0xFFFFFFFF  }
0xa8: {  	s28 =	simm.s32 $_size_execute0_lowered;
	s4 =	sadd.s32 s4, s6;
	[dreg:$0x0] =	wrdreg $0x0  }
0xa9: {  	s6 =	sshll.u32 s28, $0x1;
	[dreg:$0x2] =	wrdreg s4  }
0xaa: {  	[dreg:$0x3] =	wrdreg s6  }
0xab: {  	[dreg:$0x4] =	wrdreg $0xC0  }
0xac: {  	_ =	task [dreg:s8], $0x5FFFF  }
0xad: {  	[dreg:$0x1] =	wrdreg $0xFFFFFFFF  }
0xae: {  	[dreg:$0x0] =	wrdreg $0x60  }
0xaf: {  	[dreg:$0x2] =	wrdreg s24  }
0xb0: {  	[dreg:$0x3] =	wrdreg s2  }
0xb1: {  	[dreg:$0x4] =	wrdreg s18  }
0xb2: {  	[dreg:$0x5] =	wrdreg $0x0  }
0xb3: {  	[dreg:$0x6] =	wrdreg $0x9  }
0xb4: {  	_ =	task.clear_ibuf [dreg:s8], $0x7FFFF;
	_ =	strace $0x90000046  }
0xb5: {  	s29 =	simm.s32 $0x9;
	_ =	strace $0x80000048  }
0xb6: {  	_ =	swait.ge [sflag:s29], $0x1  }
0xb7: {  	[sflag:s29] =	ssyncadd.s32 $0xFFFFFFFF  }
0xb8: {  	_ =	strace $0x90000048  }
0xb9: {  	_ =	sfence  }
0xba: {  	s30 =	sld [smem:$0x0];
	_ =	sdelay $0x2  }
0xbb: {  	s31 =	sshll.u32 s1, $0xD;
	s1 =	sshrl.u32 s1, $0x2  }
0xbc: {  	s3 =	sand.u32 $0x4000, s31;
	s1 =	sadd.s32 s1, s30  }
0xbd: {  	s0 =	sor.u32 s3, s0;
	s1 =	sshll.u32 s1, $0x11  }
0xbe: {  	s0 =	sor.u32 s1, s0  }
0xbf: {  	s0 =	sadd.s32 $0x8F2B, s0  }
0xc0: {  	[sflag:s0] =	ssyncadd.remote.s32 $0x1  }
0xc1: {  	_ =	sfence.sel $0xFFFF  }
0xc2: {  	[dreg:$0x0] =	wrdreg $0xFFFFFFFF;
	(pc) =	sbr.abs _section_cstart, $3  }
0xc3: {  	[dreg:$0x1] =	wrdreg $0xFFFFFFFF  }
0xc4: {  	_ =	task.clear_ibuf [dreg:s8], $0x2FFFF;
	_ =	strace $0x9FFFFFFF  }
0xc5: {  	(tm) =	ssettm $0x7FFFFFFF  }
tec
execute0_lowered:
.L_overlay_start_1:
0x0: {  	(tag) =	ssettag $0x1  }
0x1: {  	s5 =	rddreg [dreg:$0x0]  }
0x2: {  	s1 =	srdreg.scid;
	s0 =	stileid.u32  }
0x3: {  	s6 =	rddreg [dreg:$0x1];
	s9 =	smul.u32 $0x7D000, s0  }
0x4: {  	s2 =	rddreg [dreg:$0x2];
	s12 =	smul.u32 $0x3E80, s0  }
0x5: {  	s3 =	rddreg [dreg:$0x3];
	s4 =	simm.s32 $0x0;
	s21 =	smul.u32 $0xC800, s0  }
0x6: {  	s17 =	simm.s32 $0x1;
	s18 =	simm.s32 $0x2;
	s25 =	smul.u32 $0x640000, s0  }
0x7: {  	s19 =	simm.s32 $0x17C80;
	s10 =	sand.u32 $0x1, s1;
	s16 =	smul.u32 $0xC8000, s0  }
0x8: {  	s20 =	sshll.u32 s0, $0x1;
	[smem:$0x7FF] =	sst s4;
	s23 =	smul.u32 $0x6400, s10  }
0x9: {  	s14 =	sadd.s32 $0x400, s5;
	p0 =	sgt.u32 s0, $0x9;
	s26 =	smul.u32 $0x320000, s10  }
0xa: {  	s7 =	sor.u32 s10, s20;
	s11 =	ssub.s32 $0x2, s10;
	s29 =	smul.u32 $0x64000, s10  }
0xb: {  	_ =	strace $0x80000047;
	s20 =	simm.s32 $0x0;
	s8 =	smul.u32 $0x6400, s7  }
0xc: {  	s13 =	sshrl.u32 s11, $0x1;
	s7 =	smul.u32 $0x320000, s7;
	s22 =	sshrl.u32 s9, $0x2  }
0xd: {  	s5 =	sadd.s32 s6, s12;
	s31 =	sadd.s32 s16, s2;
	s12 =	sshll.u32 @!p0 s0, $0x6  }
0xe: {  	s16 =	simm.s32 $0x80;
	s11 =	ssub.s32 s11, s13;
	s15 =	sadd.s32 s22, s3  }
0xf: {  	s24 =	sadd.s32 s23, s21;
	s30 =	sadd.s32 s26, s25;
	s12 =	sor.u32 @!p0 $0x1C04, s12  }
.Ltmp0:
0x10: {  	s8 =	sshrl.u32 s8, $0x3;
	s7 =	sshrl.u32 s7, $0x3;
	(pc) =	sbr.rel .LBB2_1-.Ltmp0, $4  }
0x11: {  	s10 =	sadd.s32 $0xFFFFC000, s30;
	s13 =	sshrl.u32 @!p0 s15, $0x3;
	s15 =	simm.s32 $0x3  }
0x12: {  	s6 =	sadd.s32 s14, s8;
	s7 =	sadd.s32 s2, s7;
	s8 =	sor.u32 $0x200, s24  }
0x13: {  	s7 =	sadd.s32 $0x63800, s7;
	s28 =	sshrl.u32 s8, $0x3;
	s8 =	smax.u32 s11, $0x1  }
0x14: {  	s11 =	sadd.s32 s29, s31;
	s9 =	sadd.s32 s28, s14;
	s14 =	simm.s32 $0x13880  }
.LBB2_6:
0x15: {  	_ =	swait.ge [sflag:s17], $0x4000  }
0x16: {  	[sflag:s17] =	ssyncset.done $0x0  }
0x17: {  	[sflag:s17] =	ssyncadd.s32 $0xFFFFC000  }
0x18: {  	[hbm4b:s7+s4] =	stream.linear.scatter [tilespmem:s19], [sflag:$0x2], $0x4000, $0x38;
	[tilespmem:$0x1FC80] =	vst v63  }
0x19: {  	_ =	swait.ge [sflag:s18], $0x4000  }
0x1a: {  	[sflag:s18] =	ssyncset.done $0x0  }
0x1b: {  	s20 =	sadd.s32 $0x1, s20;
	[sflag:s18] =	ssyncadd.s32 $0xFFFFC000  }
0x1c: {  	p1 =	sne.s32 s20, s8;
	_ =	swait.ge [sflag:s18], $0x4000  }
.Ltmp1:
0x1d: {  	[sflag:s18] =	ssyncset.done $0x0;
	(pc) =	sbr.rel @!p1 .LBB2_7-.Ltmp1, $4  }
0x1e: {  	[sflag:s18] =	ssyncadd.s32 $0xFFFFC000  }
0x1f: {  	_ =	swait.ge [sflag:s18], $0x4000  }
0x20: {  	[sflag:s18] =	ssyncset.done $0x0  }
0x21: {  	[sflag:s18] =	ssyncadd.s32 $0xFFFFC000  }
.LBB2_1:
0x22: {  	[spmem:s13], [sflag:s12] =	dma.local @!p0 [hbm:s5], $0x3E80  }
0x23: {  	s21 =	simm.s32 @!p0 $0x4  }
0x24: {  	_ =	swait.ge @!p0 [sflag:s21], $0x3E80  }
.Ltmp2:
0x25: {  	[sflag:s21] =	ssyncset.done @!p0 $0x0;
	(pc) =	sbr.rel .LBB2_2-.Ltmp2, $4  }
0x26: {  	[sflag:s21] =	ssyncadd.s32 @!p0 $0xFFFFC180  }
0x27: {  	[tilespmem:s14], [sflag:$0x3] =	stream.linear.gather [hbm4b:s6+s4], $0x200, $0x38;
	[tilespmem:$0x1FC80] =	vst v63  }
0x28: {  	s22 =	smov.u32 s10;
	s23 =	smov.u32 s9;
	[bflag:$0x0] =	sbarrier.arrive $0xFFFF  }
0x29: {  	s24 =	simm.s32 $0x0;
	s25 =	simm.s32 $0x0;
	s21 =	simm.s32 $0x0  }
.LBB2_4:
0x2a: {  	s28 =	smul.u32 $0xAB, s21;
	s29 =	sadd.s32 $0xFFFFFFFF, s21  }
0x2b: {  	s30 =	sshll.u32 s29, $0x10  }
0x2c: {  	s28 =	sshrl.u32 s28, $0x9;
	s30 =	sshra.s32 s30, $0x10  }
0x2d: {  	s28 =	sand.u32 $0x7F, s28;
	s30 =	smul.u32 $0x5556, s30  }
0x2e: {  	s28 =	smul.u32 $0x3, s28  }
0x2f: {  	s31 =	sshrl.u32 s30, $0x1F;
	s30 =	sshrl.u32 s30, $0x10  }
0x30: {  	_ =	swait.ge [sflag:s18], $0x4000;
	s28 =	ssub.s32 s21, s28;
	s30 =	sadd.s32 s31, s30  }
0x31: {  	s26 =	sshll.u32 s26, $0x9;
	s28 =	sand.u32 $0xFB, s28;
	s30 =	smul.u32 $0x3, s30  }
0x32: {  	[sflag:s18] =	ssyncset.done $0x0;
	s26 =	sor.u32 $0x13880, s26;
	s28 =	sshll.u32 s28, $0xE  }
0x33: {  	[sflag:s18] =	ssyncadd.s32 $0xFFFFC000;
	s28 =	sor.u32 $0x13C80, s28;
	s29 =	ssub.s32 s29, s30  }
0x34: {  	[tilespmem:s28], [sflag:$0x1] =	stream.indirect.gather [spmem:s3], $0x80, s26, s16, $0xb8;
	[tilespmem:$0x1FC80] =	vst v63  }
0x35: {  	s29 =	sshll.u32 s29, $0x10;
	_ =	swait.ge [sflag:s17], $0x4000  }
0x36: {  	s31 =	sshrl.u32 s22, $0x3;
	s29 =	sshra.s32 s29, $0x2;
	[sflag:s17] =	ssyncset.done $0x0  }
0x37: {  	s30 =	sadd.s32 s2, s31;
	s29 =	sadd.s32 $0x13C80, s29;
	[sflag:s17] =	ssyncadd.s32 $0xFFFFC000  }
0x38: {  	[hbm4b:s30+s4] =	stream.linear.scatter [tilespmem:s29], [sflag:$0x2], $0x4000, $0x38;
	[tilespmem:$0x1FC80] =	vst v63  }
0x39: {  	_ =	swait.ge [sflag:s18], $0x4000  }
0x3a: {  	[sflag:s18] =	ssyncset.done $0x0  }
0x3b: {  	p1 =	por $0x0, $0x0;
	s29 =	smov.u32 s21;
	[sflag:s18] =	ssyncadd.s32 $0xFFFFC000  }
.LBB2_5:
0x3c: {  	s30 =	sor.u32 $0x1, s29  }
0x3d: {  	s31 =	sand.u32 $0xFF, s30  }
0x3e: {  	s31 =	smul.u32 $0xAB, s31;
	_ =	sdelay $0x1  }
0x3f: {  	s31 =	sshrl.u32 s31, $0x9  }
0x40: {  	s31 =	smul.u32 $0x3, s31;
	_ =	sdelay $0x1  }
0x41: {  	s30 =	ssub.s32 s30, s31  }
0x42: {  	s30 =	sand.u32 $0xFB, s30  }
0x43: {  	s30 =	sshll.u32 s30, $0xE  }
0x44: {  	s1 =	sadd.s32 $0x80, s26;
	s31 =	sor.u32 $0x2, s29;
	s30 =	sor.u32 $0x13C80, s30  }
0x45: {  	[tilespmem:s30], [sflag:$0x1] =	stream.indirect.gather [spmem:s3], $0x80, s1, s16, $0xb8;
	[tilespmem:$0x1FC80] =	vst v63  }
0x46: {  	s1 =	sand.u32 $0xFF, s31  }
0x47: {  	s1 =	smul.u32 $0xAB, s1;
	_ =	swait.ge [sflag:s17], $0x4000  }
0x48: {  	[sflag:s17] =	ssyncset.done $0x0  }
0x49: {  	s0 =	sadd.s32 s24, s11;
	s1 =	sshrl.u32 s1, $0x9;
	[sflag:s17] =	ssyncadd.s32 $0xFFFFC000  }
0x4a: {  	[hbm4b:s0+s4] =	stream.linear.scatter [tilespmem:s28], [sflag:$0x2], $0x4000, $0x38;
	[tilespmem:$0x1FC80] =	vst v63  }
0x4b: {  	s1 =	smul.u32 $0x3, s1;
	s28 =	simm.s32 @!p1 $0x2  }
0x4c: {  	_ =	swait.ge @!p1 [sflag:s28], $0x4000  }
0x4d: {  	s1 =	ssub.s32 s31, s1;
	[sflag:s28] =	ssyncset.done @!p1 $0x0  }
0x4e: {  	s1 =	sand.u32 $0xFB, s1;
	[sflag:s28] =	ssyncadd.s32 @!p1 $0xFFFFC000;
	s28 =	sor.u32 $0x3, s29  }
0x4f: {  	s1 =	sshll.u32 s1, $0xE;
	s29 =	sand.u32 $0xFF, s28  }
0x50: {  	s31 =	sadd.s32 $0x100, s26;
	s1 =	sor.u32 $0x13C80, s1;
	s29 =	smul.u32 $0xAB, s29  }
0x51: {  	[tilespmem:s1], [sflag:$0x1] =	stream.indirect.gather [spmem:s3], $0x80, s31, s16, $0xb8;
	[tilespmem:$0x1FC80] =	vst v63  }
0x52: {  	_ =	swait.ge [sflag:s17], $0x4000  }
0x53: {  	s29 =	sshrl.u32 s29, $0x9;
	[sflag:s17] =	ssyncset.done $0x0  }
0x54: {  	s31 =	sadd.s32 $0x800, s0;
	s29 =	smul.u32 $0x3, s29;
	[sflag:s17] =	ssyncadd.s32 $0xFFFFC000  }
0x55: {  	[hbm4b:s31+s4] =	stream.linear.scatter [tilespmem:s30], [sflag:$0x2], $0x4000, $0x38;
	[tilespmem:$0x1FC80] =	vst v63  }
0x56: {  	s28 =	ssub.s32 s28, s29  }
0x57: {  	s24 =	sadd.s32 $0x2000, s24;
	_ =	swait.ge [sflag:s18], $0x4000;
	s28 =	sand.u32 $0xFB, s28  }
0x58: {  	p1 =	sne.s32 s24, $0x64000;
	[sflag:s18] =	ssyncset.done $0x0;
	s28 =	sshll.u32 s28, $0xE  }
0x59: {  	s31 =	sadd.s32 $0x180, s26;
	[sflag:s18] =	ssyncadd.s32 $0xFFFFC000;
	s28 =	sor.u32 $0x13C80, s28  }
0x5a: {  	[tilespmem:s28], [sflag:$0x1] =	stream.indirect.gather [spmem:s3], $0x80, s31, s16, $0xb8;
	[tilespmem:$0x1FC80] =	vst v63  }
.Ltmp3:
0x5b: {  	_ = 	snop;
	(pc) =	sbr.rel @!p1 .LBB2_6-.Ltmp3, $4  }
0x5c: {  	s23 =	sadd.s32 $0x40, s23;
	_ =	swait.ge [sflag:s17], $0x4000  }
0x5d: {  	s22 =	sadd.s32 $0x10000, s22;
	s21 =	sadd.s32 $0x4, s21;
	[sflag:s17] =	ssyncset.done $0x0  }
0x5e: {  	s25 =	sadd.s32 $0x1, s25;
	s0 =	sadd.s32 $0x1000, s0;
	[sflag:s17] =	ssyncadd.s32 $0xFFFFC000  }
0x5f: {  	[hbm4b:s0+s4] =	stream.linear.scatter [tilespmem:s1], [sflag:$0x2], $0x4000, $0x38;
	[tilespmem:$0x1FC80] =	vst v63  }
.LBB2_2:
0x60: {  	s26 =	sand.u32 $0x1, s25;
	_ =	swait.ge [sflag:s15], $0x200;
	p1 =	seq.s32 s24, $0x62000  }
0x61: {  	[sflag:s15] =	ssyncset.done $0x0;
	s28 =	sshll.u32 @!p1 s26, $0x9;
	s29 =	simm.s32 @!p1 $0x0  }
0x62: {  	p2 =	sne.s32 @!p1 s24, $0x0;
	[sflag:s15] =	ssyncadd.s32 $0xFFFFFE00;
	s28 =	sxor.u32 @!p1 $0x13A80, s28  }
0x63: {  	[tilespmem:s28], [sflag:$0x3] =	stream.linear.gather @!p1 [hbm4b:s23+s29], $0x200, $0x38;
	[tilespmem:$0x1FC80] =	vst v63  }
0x64: {  	p1 =	por p1, p2  }
.Ltmp4:
0x65: {  	_ = 	snop;
	(pc) =	sbr.rel @p1 .LBB2_4-.Ltmp4, $1  }
0x66: {  	_ =	sdelay $0x3  }
.Ltmp5:
0x67: {  	(pc) =	sbr.rel .LBB2_5-.Ltmp5, $4  }
0x68: {  	_ = 	snop  }
0x69: {  	s26 =	simm.s32 $0x13880  }
0x6a: {  	s28 =	simm.s32 $0x13C80;
	p1 =	por $0x1, $0x1;
	s29 =	simm.s32 $0x0  }
0x6b: {  	[tilespmem:s28], [sflag:$0x1] =	stream.indirect.gather [spmem:s3], $0x80, s26, s16, $0xb8;
	[tilespmem:$0x1FC80] =	vst v63  }
.LBB2_7:
0x6c: {  	_ =	sfence.sel $0x180000  }
0x6d: {  	[bflag:$0x0] =	sbarrier.arrive $0xFFFF  }
0x6e: {  	_ =	strace $0x90000047  }
0x6f: {  	s0 =	stileid.u32;
	[bflag:$0x2] =	sbarrier.arrive $0xFFFF  }
0x70: {  	p0 =	sne.s32 s0, $0x0;
	s0 =	rddreg [dreg:$0x4]  }
0x71: {  	s0 =	sadd.s32 @!p0 $0x100000, s0  }
0x72: {  	[sflag:s0] =	ssyncadd.tile.s32 @!p0 $0x1;
	_ =	shalt  }
.Lfunc_end2:
_tile_overlayer_lowered:
.L_overlay_start_2:
0x73: {  	(tag) =	ssettag $0x2  }
0x74: {  	s0 =	rddreg [dreg:$0x0];
	s2 =	stileid.u32  }
0x75: {  	s1 =	rddreg [dreg:$0x1];
	p0 =	sne.s32 s2, $0x0  }
0x76: {  	s3 =	rddreg [dreg:$0x2];
	[bflag:$0x3] =	sbarrier.arrive $0xFFFF;
	s2 =	simm.s32 @!p0 $0x1C04  }
0x77: {  	[timem:s3], [sflag:s2] =	dma.local @!p0 [hbm:s0], s1  }
0x78: {  	s0 =	simm.s32 @!p0 $0x4  }
0x79: {  	_ =	swait.ge @!p0 [sflag:s0], s1  }
0x7a: {  	s1 =	ssub.s32 @!p0 $0x0, s1;
	[sflag:s0] =	ssyncset.done @!p0 $0x0  }
0x7b: {  	[sflag:s0] =	ssyncadd.s32 @!p0 s1  }
0x7c: {  	[bflag:$0x3] =	sbarrier.arrive $0xFFFF  }
0x7d: {  	_ =	shalt  }

</sc_bundles>
